<compile_context>
chip_gen: v7x
topology: tpu7x:2x2x1
jax: 0.10.2.dev20260603
libtpu: 0.0.44.dev20260713+nightly
codegen_flags: <defaults>
</compile_context>

<pallas_src>
import functools

import jax
import jax.numpy as jnp
from jax import lax
from jax.experimental import pallas as pl
from jax.experimental.pallas import tpu as pltpu
from jax.experimental.pallas import tpu_sc as plsc


def _gather_rows_sc(table, ind_flat, n_per_batch, rows_per_batch):
    width = table.shape[1]
    nrows = ind_flat.shape[0]

    info = plsc.get_sparse_core_info()
    num_cores, num_subcores, lanes = info.num_cores, info.num_subcores, info.num_lanes
    num_workers = num_cores * num_subcores
    per = nrows // num_workers

    mesh = plsc.VectorSubcoreMesh(core_axis_name="c", subcore_axis_name="s")

    @functools.partial(
        pl.kernel,
        mesh=mesh,
        out_type=jax.ShapeDtypeStruct((nrows, width), jnp.float32),
        scratch_types=[
            pltpu.VMEM((per,), jnp.int32),
            pltpu.VMEM((per, width), jnp.float32),
            pltpu.SemaphoreType.DMA,
        ],
    )
    def gather_kernel(table_hbm, idx_hbm, pred_hbm, idx_v, rows_v, sem):
        wid = lax.axis_index("s") * num_cores + lax.axis_index("c")
        base = wid * per
        row_base = (base // n_per_batch) * rows_per_batch
        pltpu.sync_copy(idx_hbm.at[pl.ds(base, per)], idx_v)
        for j in range(per // lanes):
            sl = pl.ds(j * lanes, lanes)
            idx_v[sl] = (idx_v[sl] >> 1) + row_base
        pltpu.async_copy(table_hbm.at[idx_v], rows_v, sem).wait()
        pltpu.sync_copy(rows_v, pred_hbm.at[pl.ds(base, per)])

    return gather_kernel(table, ind_flat)


def _masked_bce_tc(pred2, ind_col, target, maskf, win_sq):

    def body(p2_ref, i_ref, t_ref, m_ref, o_ref):
        p2 = p2_ref[...]
        odd = (i_ref[...] & 1) == 1
        p = jnp.where(odd, p2[:, win_sq:], p2[:, :win_sq])
        t = t_ref[...]
        m = m_ref[...]
        c = jnp.log1p(jnp.exp(-jnp.abs(p)))
        mn = jnp.minimum(p, 0.0)
        ls_p = mn - c
        ls_mp = mn - p - c
        bce = -(1.5 * t * ls_p + (1.0 - t) * ls_mp)
        loss_sum = jnp.sum(bce * m)
        num_sample = jnp.sum(m) * float(win_sq)
        o_ref[0, 0] = jnp.where(num_sample > 0, loss_sum / num_sample, loss_sum)

    return pl.pallas_call(
        body,
        out_shape=jax.ShapeDtypeStruct((1, 1), jnp.float32),
        out_specs=pl.BlockSpec(memory_space=pltpu.SMEM),
    )(pred2, ind_col, target, maskf)


def kernel(output, mask, ind, target):
    B, S, W = output.shape
    N = ind.shape[1]
    win_sq = target.shape[-1] * target.shape[-2]
    table = output.reshape(B * S * W // (2 * win_sq), 2 * win_sq)
    ind_flat = ind.reshape(B * N)
    pred2 = _gather_rows_sc(table, ind_flat, N, S * W // (2 * win_sq))
    tgt = target.reshape(B * N, win_sq)
    maskf = mask.reshape(B * N, 1).astype(jnp.float32)
    loss = _masked_bce_tc(pred2, ind_flat.reshape(B * N, 1), tgt, maskf, win_sq)
    return loss[0, 0]

# --- scband reference (transcript-rebuilt; emitter-appended) ---
"""Pipeline reference for scband-mask-bceloss-45140106281718 (READ-ONLY COPY).

The authoritative reference and input builder live on the scoring server;
editing this copy changes nothing except your own understanding.
"""

import jax, jax.numpy as jnp
import numpy as np


def setup_inputs(seed: int = 0) -> dict:
    key = jax.random.key(seed)
    k1, k2, k3, k4 = jax.random.split(key, 4)
    output = jax.random.normal(k1, (16, 16384, 64), dtype=jnp.float32)
    mask = jax.random.randint(k2, (16, 128), 0, 2, dtype=jnp.int32)
    ind = jax.random.randint(k3, (16, 128), 0, 16384, dtype=jnp.int32)
    target = jax.random.uniform(k4, (16, 128, 8, 8), dtype=jnp.float32)
    return {"output": output, "mask": mask, "ind": ind, "target": target}


def reference(output, mask, ind, target):
    B = target.shape[0]
    N = target.shape[1]
    window = target.shape[-1]
    out = output.reshape(B, -1, window * window)
    idx = jnp.broadcast_to(ind[:, :, None], (B, N, window * window))
    pred = jnp.take_along_axis(out, idx, axis=1).reshape(B, N, window, window)
    pos_weight = jnp.float32(1.5)
    # binary_cross_entropy_with_logits with pos_weight, reduction='none'
    bce = -(pos_weight * target * jax.nn.log_sigmoid(pred) + (1.0 - target) * jax.nn.log_sigmoid(-pred))
    maskf = jnp.broadcast_to(mask[:, :, None, None].astype(jnp.float32), pred.shape)
    num_sample = maskf.sum()
    loss = (bce * maskf).sum()
    loss = jnp.where(num_sample > 0, loss / num_sample, loss)
    return loss

if __name__ == "__main__":
    import jax
    _d = setup_inputs()
    print(jax.jit(kernel)(*tuple(_d.values())))

</pallas_src>

<mosaic_0001>
#map = affine_map<(d0, d1) -> (0, 0)>
#map1 = affine_map<(d0, d1) -> (0)>
module attributes {stable_mosaic.version = 14 : i64} {
  func.func @gather_kernel(%arg0: i32, %arg1: i32, %arg2: memref<131072x128xf32, #tpu.memory_space<hbm>>, %arg3: memref<2048xi32, #tpu.memory_space<hbm>>, %arg4: memref<2048x128xf32, #tpu.memory_space<hbm>>, %arg5: memref<64xi32, #tpu.memory_space<vmem>>, %arg6: memref<64x128xf32, #tpu.memory_space<vmem>>, %arg7: memref<!tpu.dma_semaphore, #tpu.memory_space<semaphore_mem>>) attributes {dimension_semantics = [#tpu.dimension_semantics<core_parallel>, #tpu.dimension_semantics<subcore_parallel>], iteration_bounds = array<i64: 2, 16>, scalar_prefetch = 0 : i64, scratch_operands = 3 : i64, tpu.core_type = #tpu.core_type<sc_vector_subcore>, window_params = [{transform_indices = #map}, {transform_indices = #map1}, {transform_indices = #map}]} {
    %mul3A = arith.constant 2 : i32
    %mul3A_0 = arith.muli %arg1, %mul3A : i32
    %add3A = arith.addi %mul3A_0, %arg0 : i32
    %mul3A_1 = arith.constant 64 : i32
    %mul3A_2 = arith.muli %add3A, %mul3A_1 : i32
    %jit3A = arith.constant 128 : i32
    %div3A = arith.divsi %mul3A_2, %jit3A : i32
    %sign3A = arith.constant 0 : i32
    %sign3A_3 = arith.cmpi sgt, %mul3A_2, %sign3A : i32
    %sign3A_4 = arith.extui %sign3A_3 : i1 to i32
    %sign3A_5 = arith.constant 0 : i32
    %sign3A_6 = arith.cmpi slt, %mul3A_2, %sign3A_5 : i32
    %sign3A_7 = arith.extui %sign3A_6 : i1 to i32
    %sign3A_8 = arith.subi %sign3A_4, %sign3A_7 : i32
    %sign3A_9 = arith.constant 0 : i32
    %sign3A_10 = arith.cmpi sgt, %jit3A, %sign3A_9 : i32
    %sign3A_11 = arith.extui %sign3A_10 : i1 to i32
    %sign3A_12 = arith.constant 0 : i32
    %sign3A_13 = arith.cmpi slt, %jit3A, %sign3A_12 : i32
    %sign3A_14 = arith.extui %sign3A_13 : i1 to i32
    %sign3A_15 = arith.subi %sign3A_11, %sign3A_14 : i32
    %ne3A = arith.cmpi ne, %sign3A_8, %sign3A_15 : i32
    %rem3A = arith.remsi %mul3A_2, %jit3A : i32
    %ne3A_16 = arith.constant 0 : i32
    %ne3A_17 = arith.cmpi ne, %rem3A, %ne3A_16 : i32
    %and3A = arith.andi %ne3A, %ne3A_17 : i1
    %sub3A = arith.constant 1 : i32
    %sub3A_18 = arith.subi %div3A, %sub3A : i32
    %select_n3A = arith.select %and3A, %sub3A_18, %div3A : i32
    %mul3A_19 = arith.constant 8192 : i32
    %mul3A_20 = arith.muli %select_n3A, %mul3A_19 : i32
    "tpu.region"() ({
      %run_scoped3A = tpu.sem_alloc : memref<!tpu.dma_semaphore, #tpu.memory_space<semaphore_mem>>
      %dma_start3A_70 = tpu.memref_slice %arg3[%mul3A_2] : memref<2048xi32, #tpu.memory_space<hbm>> -> memref<64xi32, #tpu.memory_space<hbm>>
      %dma_start3A_71 = tpu.memref_slice %arg3[%mul3A_2] : memref<2048xi32, #tpu.memory_space<hbm>> -> memref<64xi32, #tpu.memory_space<hbm>>
      tpu.enqueue_dma source(%dma_start3A_71 : memref<64xi32, #tpu.memory_space<hbm>>) target(%arg5 : memref<64xi32, #tpu.memory_space<vmem>>) target_semaphore(%run_scoped3A : memref<!tpu.dma_semaphore, #tpu.memory_space<semaphore_mem>>)
      %dma_wait3A_72 = tpu.memref_slice %arg3[%mul3A_2] : memref<2048xi32, #tpu.memory_space<hbm>> -> memref<64xi32, #tpu.memory_space<hbm>>
      %dma_wait3A_73 = tpu.memref_slice %arg3[%mul3A_2] : memref<2048xi32, #tpu.memory_space<hbm>> -> memref<64xi32, #tpu.memory_space<hbm>>
      tpu.wait_dma2 semaphore(%run_scoped3A : memref<!tpu.dma_semaphore, #tpu.memory_space<semaphore_mem>>) src(%dma_wait3A_73 : memref<64xi32, #tpu.memory_space<hbm>>) dst(%arg5 : memref<64xi32, #tpu.memory_space<vmem>>)
      tpu.yield
    }) : () -> ()
    %get3A = arith.constant 0 : index
    %get3A_21 = tpu.vector_load %arg5[%get3A] {strides = array<i32>} : memref<64xi32, #tpu.memory_space<vmem>>, vector<16xi32>,
    %get3A_22 = vector.shape_cast %get3A_21 : vector<16xi32> to vector<16xi32>
    %shift_right_arithmetic3A = arith.constant 1 : i32
    %shift_right_arithmetic3A_23 = vector.broadcast %shift_right_arithmetic3A : i32 to vector<16xi32>
    %shift_right_arithmetic3A_24 = arith.shrsi %get3A_22, %shift_right_arithmetic3A_23 : vector<16xi32>
    %add3A_25 = vector.broadcast %mul3A_20 : i32 to vector<16xi32>
    %add3A_26 = arith.addi %shift_right_arithmetic3A_24, %add3A_25 : vector<16xi32>
    %swap3A = arith.constant 0 : index
    %swap3A_27 = tpu.vector_load %arg5[%swap3A] {strides = array<i32>} : memref<64xi32, #tpu.memory_space<vmem>>, vector<16xi32>,
    %swap3A_28 = vector.shape_cast %swap3A_27 : vector<16xi32> to vector<16xi32>
    %swap3A_29 = vector.shape_cast %add3A_26 : vector<16xi32> to vector<16xi32>
    tpu.vector_store %arg5[%swap3A], %swap3A_29 {strides = array<i32>} : memref<64xi32, #tpu.memory_space<vmem>>, vector<16xi32>,
    %get3A_30 = arith.constant 16 : index
    %get3A_31 = tpu.vector_load %arg5[%get3A_30] {strides = array<i32>} : memref<64xi32, #tpu.memory_space<vmem>>, vector<16xi32>,
    %get3A_32 = vector.shape_cast %get3A_31 : vector<16xi32> to vector<16xi32>
    %shift_right_arithmetic3A_33 = arith.constant 1 : i32
    %shift_right_arithmetic3A_34 = vector.broadcast %shift_right_arithmetic3A_33 : i32 to vector<16xi32>
    %shift_right_arithmetic3A_35 = arith.shrsi %get3A_32, %shift_right_arithmetic3A_34 : vector<16xi32>
    %add3A_36 = vector.broadcast %mul3A_20 : i32 to vector<16xi32>
    %add3A_37 = arith.addi %shift_right_arithmetic3A_35, %add3A_36 : vector<16xi32>
    %swap3A_38 = arith.constant 16 : index
    %swap3A_39 = tpu.vector_load %arg5[%swap3A_38] {strides = array<i32>} : memref<64xi32, #tpu.memory_space<vmem>>, vector<16xi32>,
    %swap3A_40 = vector.shape_cast %swap3A_39 : vector<16xi32> to vector<16xi32>
    %swap3A_41 = vector.shape_cast %add3A_37 : vector<16xi32> to vector<16xi32>
    tpu.vector_store %arg5[%swap3A_38], %swap3A_41 {strides = array<i32>} : memref<64xi32, #tpu.memory_space<vmem>>, vector<16xi32>,
    %get3A_42 = arith.constant 32 : index
    %get3A_43 = tpu.vector_load %arg5[%get3A_42] {strides = array<i32>} : memref<64xi32, #tpu.memory_space<vmem>>, vector<16xi32>,
    %get3A_44 = vector.shape_cast %get3A_43 : vector<16xi32> to vector<16xi32>
    %shift_right_arithmetic3A_45 = arith.constant 1 : i32
    %shift_right_arithmetic3A_46 = vector.broadcast %shift_right_arithmetic3A_45 : i32 to vector<16xi32>
    %shift_right_arithmetic3A_47 = arith.shrsi %get3A_44, %shift_right_arithmetic3A_46 : vector<16xi32>
    %add3A_48 = vector.broadcast %mul3A_20 : i32 to vector<16xi32>
    %add3A_49 = arith.addi %shift_right_arithmetic3A_47, %add3A_48 : vector<16xi32>
    %swap3A_50 = arith.constant 32 : index
    %swap3A_51 = tpu.vector_load %arg5[%swap3A_50] {strides = array<i32>} : memref<64xi32, #tpu.memory_space<vmem>>, vector<16xi32>,
    %swap3A_52 = vector.shape_cast %swap3A_51 : vector<16xi32> to vector<16xi32>
    %swap3A_53 = vector.shape_cast %add3A_49 : vector<16xi32> to vector<16xi32>
    tpu.vector_store %arg5[%swap3A_50], %swap3A_53 {strides = array<i32>} : memref<64xi32, #tpu.memory_space<vmem>>, vector<16xi32>,
    %get3A_54 = arith.constant 48 : index
    %get3A_55 = tpu.vector_load %arg5[%get3A_54] {strides = array<i32>} : memref<64xi32, #tpu.memory_space<vmem>>, vector<16xi32>,
    %get3A_56 = vector.shape_cast %get3A_55 : vector<16xi32> to vector<16xi32>
    %shift_right_arithmetic3A_57 = arith.constant 1 : i32
    %shift_right_arithmetic3A_58 = vector.broadcast %shift_right_arithmetic3A_57 : i32 to vector<16xi32>
    %shift_right_arithmetic3A_59 = arith.shrsi %get3A_56, %shift_right_arithmetic3A_58 : vector<16xi32>
    %add3A_60 = vector.broadcast %mul3A_20 : i32 to vector<16xi32>
    %add3A_61 = arith.addi %shift_right_arithmetic3A_59, %add3A_60 : vector<16xi32>
    %swap3A_62 = arith.constant 48 : index
    %swap3A_63 = tpu.vector_load %arg5[%swap3A_62] {strides = array<i32>} : memref<64xi32, #tpu.memory_space<vmem>>, vector<16xi32>,
    %swap3A_64 = vector.shape_cast %swap3A_63 : vector<16xi32> to vector<16xi32>
    %swap3A_65 = vector.shape_cast %add3A_61 : vector<16xi32> to vector<16xi32>
    tpu.vector_store %arg5[%swap3A_62], %swap3A_65 {strides = array<i32>} : memref<64xi32, #tpu.memory_space<vmem>>, vector<16xi32>,
    %dma_start3A = arith.constant 0 : i32
    %dma_start3A_66 = arith.constant 0 : i32
    %dma_start3A_67 = tpu.memref_slice %arg2[%dma_start3A, %dma_start3A_66] : memref<131072x128xf32, #tpu.memory_space<hbm>> -> memref<131072x128xf32, #tpu.memory_space<hbm>>
    tpu.enqueue_indirect_dma source(%dma_start3A_67 : memref<131072x128xf32, #tpu.memory_space<hbm>>) target(%arg6 : memref<64x128xf32, #tpu.memory_space<vmem>>) offsets(%arg5 : memref<64xi32, #tpu.memory_space<vmem>>) semaphore(%arg7 : memref<!tpu.dma_semaphore, #tpu.memory_space<semaphore_mem>>)
    %dma_wait3A = arith.constant 0 : i32
    %dma_wait3A_68 = arith.constant 0 : i32
    %dma_wait3A_69 = tpu.memref_slice %arg2[%dma_wait3A, %dma_wait3A_68] : memref<131072x128xf32, #tpu.memory_space<hbm>> -> memref<131072x128xf32, #tpu.memory_space<hbm>>
    tpu.wait_indirect_dma semaphore(%arg7 : memref<!tpu.dma_semaphore, #tpu.memory_space<semaphore_mem>>) src(%dma_wait3A_69 : memref<131072x128xf32, #tpu.memory_space<hbm>>) dst(%arg6 : memref<64x128xf32, #tpu.memory_space<vmem>>)
    "tpu.region"() ({
      %run_scoped3A = tpu.sem_alloc : memref<!tpu.dma_semaphore, #tpu.memory_space<semaphore_mem>>
      %dma_start3A_70 = arith.constant 0 : i32
      %dma_start3A_71 = tpu.memref_slice %arg4[%mul3A_2, %dma_start3A_70] : memref<2048x128xf32, #tpu.memory_space<hbm>> -> memref<64x128xf32, #tpu.memory_space<hbm>>
      %dma_start3A_72 = arith.constant 0 : i32
      %dma_start3A_73 = tpu.memref_slice %arg4[%mul3A_2, %dma_start3A_72] : memref<2048x128xf32, #tpu.memory_space<hbm>> -> memref<64x128xf32, #tpu.memory_space<hbm>>
      tpu.enqueue_dma source(%arg6 : memref<64x128xf32, #tpu.memory_space<vmem>>) target(%dma_start3A_73 : memref<64x128xf32, #tpu.memory_space<hbm>>) target_semaphore(%run_scoped3A : memref<!tpu.dma_semaphore, #tpu.memory_space<semaphore_mem>>)
      %dma_wait3A_74 = arith.constant 0 : i32
      %dma_wait3A_75 = tpu.memref_slice %arg4[%mul3A_2, %dma_wait3A_74] : memref<2048x128xf32, #tpu.memory_space<hbm>> -> memref<64x128xf32, #tpu.memory_space<hbm>>
      %dma_wait3A_76 = arith.constant 0 : i32
      %dma_wait3A_77 = tpu.memref_slice %arg4[%mul3A_2, %dma_wait3A_76] : memref<2048x128xf32, #tpu.memory_space<hbm>> -> memref<64x128xf32, #tpu.memory_space<hbm>>
      tpu.wait_dma2 semaphore(%run_scoped3A : memref<!tpu.dma_semaphore, #tpu.memory_space<semaphore_mem>>) src(%arg6 : memref<64x128xf32, #tpu.memory_space<vmem>>) dst(%dma_wait3A_77 : memref<64x128xf32, #tpu.memory_space<hbm>>)
      tpu.yield
    }) : () -> ()
    return
  }
}

module attributes {stable_mosaic.version = 14 : i64} {
  func.func @body(%arg0: memref<2048x128xf32, #tpu.memory_space<vmem>>, %arg1: memref<2048x1xi32, #tpu.memory_space<vmem>>, %arg2: memref<2048x64xf32, #tpu.memory_space<vmem>>, %arg3: memref<2048x1xf32, #tpu.memory_space<vmem>>, %arg4: memref<1x1xf32, #tpu.memory_space<smem>>) attributes {dimension_semantics = [], scalar_prefetch = 0 : i64, scratch_operands = 0 : i64, tpu.core_type = #tpu.core_type<tc>} {
    %get3A = arith.constant 0 : index
    %get3A_0 = arith.constant 0 : index
    %get3A_1 = vector.load %arg0[%get3A, %get3A_0] : memref<2048x128xf32, #tpu.memory_space<vmem>>, vector<2048x128xf32>
    %get3A_2 = arith.constant 0 : index
    %get3A_3 = arith.constant 0 : index
    %get3A_4 = vector.load %arg1[%get3A_2, %get3A_3] : memref<2048x1xi32, #tpu.memory_space<vmem>>, vector<2048x1xi32>
    %and3A = arith.constant 1 : i32
    %and3A_5 = vector.broadcast %and3A : i32 to vector<2048x1xi32>
    %and3A_6 = arith.andi %get3A_4, %and3A_5 : vector<2048x1xi32>
    %eq3A = arith.constant 1 : i32
    %eq3A_7 = vector.broadcast %eq3A : i32 to vector<2048x1xi32>
    %eq3A_8 = arith.cmpi eq, %and3A_6, %eq3A_7 : vector<2048x1xi32>
    %slice3A = vector.extract_strided_slice %get3A_1 {offsets = [0, 64], sizes = [2048, 64], strides = [1, 1]} : vector<2048x128xf32> to vector<2048x64xf32>
    %slice3A_9 = vector.extract_strided_slice %get3A_1 {offsets = [0, 0], sizes = [2048, 64], strides = [1, 1]} : vector<2048x128xf32> to vector<2048x64xf32>
    %broadcast_in_dim3A = vector.shape_cast %eq3A_8 : vector<2048x1xi1> to vector<2048x1xi1>
    %broadcast_in_dim3A_10 = vector.broadcast %broadcast_in_dim3A : vector<2048x1xi1> to vector<2048x64xi1>
    %select_n3A = arith.select %broadcast_in_dim3A_10, %slice3A, %slice3A_9 : vector<2048x64xi1>, vector<2048x64xf32>
    %get3A_11 = arith.constant 0 : index
    %get3A_12 = arith.constant 0 : index
    %get3A_13 = vector.load %arg2[%get3A_11, %get3A_12] : memref<2048x64xf32, #tpu.memory_space<vmem>>, vector<2048x64xf32>
    %get3A_14 = arith.constant 0 : index
    %get3A_15 = arith.constant 0 : index
    %get3A_16 = vector.load %arg3[%get3A_14, %get3A_15] : memref<2048x1xf32, #tpu.memory_space<vmem>>, vector<2048x1xf32>
    %abs3A = math.absf %select_n3A : vector<2048x64xf32>
    %neg3A = arith.constant 0.000000e+00 : f32
    %neg3A_17 = vector.broadcast %neg3A : f32 to vector<2048x64xf32>
    %neg3A_18 = arith.subf %neg3A_17, %abs3A : vector<2048x64xf32>
    %exp3A = math.exp %neg3A_18 : vector<2048x64xf32>
    %log1p3A = math.log1p %exp3A : vector<2048x64xf32>
    %min3A = arith.constant 0.000000e+00 : f32
    %min3A_19 = vector.broadcast %min3A : f32 to vector<2048x64xf32>
    %min3A_20 = arith.minimumf %select_n3A, %min3A_19 : vector<2048x64xf32>
    %sub3A = arith.subf %min3A_20, %log1p3A : vector<2048x64xf32>
    %sub3A_21 = arith.subf %min3A_20, %select_n3A : vector<2048x64xf32>
    %sub3A_22 = arith.subf %sub3A_21, %log1p3A : vector<2048x64xf32>
    %mul3A = arith.constant 1.500000e+00 : f32
    %mul3A_23 = vector.broadcast %mul3A : f32 to vector<2048x64xf32>
    %mul3A_24 = arith.mulf %mul3A_23, %get3A_13 : vector<2048x64xf32>
    %mul3A_25 = arith.mulf %mul3A_24, %sub3A : vector<2048x64xf32>
    %sub3A_26 = arith.constant 1.000000e+00 : f32
    %sub3A_27 = vector.broadcast %sub3A_26 : f32 to vector<2048x64xf32>
    %sub3A_28 = arith.subf %sub3A_27, %get3A_13 : vector<2048x64xf32>
    %mul3A_29 = arith.mulf %sub3A_28, %sub3A_22 : vector<2048x64xf32>
    %add3A = arith.addf %mul3A_25, %mul3A_29 : vector<2048x64xf32>
    %neg3A_30 = arith.constant 0.000000e+00 : f32
    %neg3A_31 = vector.broadcast %neg3A_30 : f32 to vector<2048x64xf32>
    %neg3A_32 = arith.subf %neg3A_31, %add3A : vector<2048x64xf32>
    %mul3A_33 = vector.broadcast %get3A_16 : vector<2048x1xf32> to vector<2048x64xf32>
    %mul3A_34 = arith.mulf %neg3A_32, %mul3A_33 : vector<2048x64xf32>
    %reduce_sum3A = vector.shape_cast %mul3A_34 : vector<2048x64xf32> to vector<1x2048x64xf32>
    %reduce_sum3A_35 = arith.constant dense<0.000000e+00> : vector<1xf32>
    %reduce_sum3A_36 = vector.multi_reduction <add>, %reduce_sum3A, %reduce_sum3A_35 [1, 2] : vector<1x2048x64xf32> to vector<1xf32>
    %reduce_sum3A_37 = vector.shape_cast %reduce_sum3A_36 : vector<1xf32> to vector<1x1x1xf32>
    %reduce_sum3A_38 = vector.extract %reduce_sum3A_37[0, 0, 0] : f32 from vector<1x1x1xf32>
    %reduce_sum3A_39 = vector.shape_cast %get3A_16 : vector<2048x1xf32> to vector<1x2048x1xf32>
    %reduce_sum3A_40 = arith.constant dense<0.000000e+00> : vector<1xf32>
    %reduce_sum3A_41 = vector.multi_reduction <add>, %reduce_sum3A_39, %reduce_sum3A_40 [1, 2] : vector<1x2048x1xf32> to vector<1xf32>
    %reduce_sum3A_42 = vector.shape_cast %reduce_sum3A_41 : vector<1xf32> to vector<1x1x1xf32>
    %reduce_sum3A_43 = vector.extract %reduce_sum3A_42[0, 0, 0] : f32 from vector<1x1x1xf32>
    %mul3A_44 = arith.constant 6.400000e+01 : f32
    %mul3A_45 = arith.mulf %reduce_sum3A_43, %mul3A_44 : f32
    %gt3A = arith.constant 0.000000e+00 : f32
    %gt3A_46 = arith.cmpf ogt, %mul3A_45, %gt3A : f32
    %div3A = arith.divf %reduce_sum3A_38, %mul3A_45 : f32
    %select_n3A_47 = arith.select %gt3A_46, %div3A, %reduce_sum3A_38 : f32
    %swap3A = arith.constant 0 : index
    %swap3A_48 = arith.constant 0 : index
    %swap3A_49 = memref.load %arg4[%swap3A, %swap3A_48] : memref<1x1xf32, #tpu.memory_space<smem>>
    memref.store %select_n3A_47, %arg4[%swap3A, %swap3A_48] : memref<1x1xf32, #tpu.memory_space<smem>>
    return
  }
}

</mosaic_0001>

<sc_bundles>
// kernel: kernel.4.cloned.1.call-start
scs
__scs_entry_jumppad:
0x0: {  	(pc) =	sbr.rel $0x88, $3  }
0x1: {  	(tag) =	ssettag $0x0;
	lr =	simm.s32 $0x1  }
0x2: {  	[smem:$0x3F9D] =	sst lr;
	_ =	strace $0xD0000000  }
0x3: {  	_ = 	snop  }
0x4: {  	_ = 	snop  }
0x5: {  	_ = 	snop  }
0x6: {  	_ = 	snop  }
0x7: {  	_ = 	snop  }
__scs_overlays_trampoline_lowered:
0x8: {  	[smem:$0x3FAC] =	sst s0  }
0x9: {  	[smem:$0x3FAD] =	sst s1  }
0xa: {  	[smem:$0x3FAE] =	sst s2  }
0xb: {  	[smem:$0x3FAF] =	sst s3  }
0xc: {  	[smem:$0x3FB0] =	sst s4  }
0xd: {  	[smem:$0x3FB1] =	sst s5  }
0xe: {  	[smem:$0x3FB2] =	sst s6  }
0xf: {  	[smem:$0x3FB3] =	sst s7  }
0x10: {  	[smem:$0x3FB4] =	sst s8  }
0x11: {  	[smem:$0x3FB5] =	sst s9;
	s0 =	simm.s32 @!p0 $0x0  }
0x12: {  	s1 =	sld [smem:$0x3F9B];
	s0 =	simm.s32 @p0 $0x1  }
0x13: {  	[smem:$0x3FB6] =	sst s0;
	s0 =	simm.s32 @!p1 $0x0  }
0x14: {  	s2 =	sld [smem:$0x3F9A];
	s0 =	simm.s32 @p1 $0x1  }
0x15: {  	[smem:$0x3FB7] =	sst s0;
	s0 =	simm.s32 @!p2 $0x0  }
0x16: {  	s3 =	sld [smem:$0x3FDB];
	s0 =	simm.s32 @p2 $0x1  }
0x17: {  	s4 =	simm.s32 $0x1BF5;
	[smem:$0x3FB9] =	sst s0  }
0x18: {  	s0 =	sld [smem:$0x3F9C];
	_ =	swait.ge [sflag:s4], $0x0  }
0x19: {  	s7 =	sld [smem:$0x3F9D]  }
0x1a: {  	s8 =	sadd.s32 $0xFFFFE003, lr  }
0x1b: {  	s9 =	sadd.s32 $0xFFFFFEF7, lr;
	s5 =	simm.s32 $0xFFFFFFFF;
	p2 =	slt.u32 s8, $0xFFFFF086  }
0x1c: {  	p1 =	slt.u32 s9, $0xF7A;
	s5 =	simm.s32 @!p2 $0x0  }
0x1d: {  	s5 =	simm.s32 @p1 $0x1;
	p0 =	seq.s32 s7, s2  }
0x1e: {  	s7 =	smul.u32 @!p0 $0xF7A, s2;
	p2 =	seq.s32 @!p0 s5, $0x0  }
0x1f: {  	s9 =	smul.u32 $0xF7A, s1;
	s8 =	simm.s32 @!p0 $0x1BF5;
	p2 =	por !p2, p0  }
0x20: {  	[sflag:s8] =	ssyncset.s32 @!p0 $0xFFFFF086;
	s6 =	sadd.s32 @!p0 s3, s7;
	s7 =	simm.s32 @!p0 $0x108  }
0x21: {  	s3 =	sadd.s32 s3, s9;
	s6 =	sadd.s32 @!p0 $0x88, s6;
	s7 =	simm.s32 @p2 $0x1082  }
0x22: {  	[simem:s7], [sflag:s8] =	dma.local @!p0 [hbm:s6], $0xF7A  }
0x23: {  	s9 =	sor.u32 $0xD0000000, s2;
	s6 =	simm.s32 $0x108;
	_ =	swait.ge @!p0 [sflag:s8], $0x0  }
0x24: {  	s3 =	sadd.s32 $0x88, s3;
	s6 =	simm.s32 @!p1 $0x1082;
	[sflag:s4] =	ssyncset.s32 $0xFFFFF086  }
0x25: {  	[simem:s6], [sflag:s4] =	dma.local [hbm:s3], $0xF7A  }
0x26: {  	[smem:$0x3F9D] =	sst s1;
	(tag) =	ssettag s2;
	_ =	strace s9  }
0x27: {  	s1 =	sld [smem:$0x3FAD]  }
0x28: {  	s2 =	sld [smem:$0x3FAE]  }
0x29: {  	s4 =	sld [smem:$0x3FB0]  }
0x2a: {  	p0 =	seq.s32 s5, $0x0;
	s5 =	sld [smem:$0x3FB1]  }
0x2b: {  	s6 =	sld [smem:$0x3FB2]  }
0x2c: {  	s7 =	sld [smem:$0x3FB3]  }
0x2d: {  	s3 =	simm.s32 $0x108;
	s8 =	sld [smem:$0x3FB4]  }
0x2e: {  	s3 =	simm.s32 @!p0 $0x1082;
	s9 =	sld [smem:$0x3FB5]  }
0x2f: {  	lr =	sadd.s32 s0, s3;
	s0 =	sld [smem:$0x3FAC]  }
0x30: {  	s3 =	sld [smem:$0x3FAF]  }
0x31: {  	[smem:$0x3FB8] =	sst s10  }
0x32: {  	s10 =	sld [smem:$0x3FB6];
	_ =	sdelay $0x3  }
0x33: {  	p0 =	seq.s32 s10, $0x1;
	s10 =	sld [smem:$0x3FB8];
	_ =	sdelay $0x3  }
0x34: {  	[smem:$0x3FB8] =	sst s10  }
0x35: {  	s10 =	sld [smem:$0x3FB7];
	_ =	sdelay $0x3  }
0x36: {  	p1 =	seq.s32 s10, $0x1;
	s10 =	sld [smem:$0x3FB8];
	_ =	sdelay $0x3  }
0x37: {  	[smem:$0x3FB8] =	sst s10  }
0x38: {  	s10 =	sld [smem:$0x3FB9]  }
0x39: {  	_ = 	snop;
	(pc) =	sbr.ind lr, $3  }
0x3a: {  	_ = 	snop  }
0x3b: {  	_ = 	snop  }
0x3c: {  	p2 =	seq.s32 s10, $0x1;
	s10 =	sld [smem:$0x3FB8]  }
0x3d: {  	_ =	shalt  }
0x3e: {  	_ =	shalt  }
0x3f: {  	_ =	shalt  }
0x40: {  	_ =	shalt  }
0x41: {  	_ =	shalt  }
0x42: {  	_ =	shalt  }
0x43: {  	_ =	shalt  }
0x44: {  	_ =	shalt  }
0x45: {  	_ =	shalt  }
0x46: {  	_ =	shalt  }
0x47: {  	_ =	shalt  }
0x48: {  	_ =	shalt  }
0x49: {  	_ =	shalt  }
0x4a: {  	_ =	shalt  }
0x4b: {  	_ =	shalt  }
0x4c: {  	_ =	shalt  }
0x4d: {  	_ =	shalt  }
0x4e: {  	_ =	shalt  }
0x4f: {  	_ =	shalt  }
0x50: {  	_ =	shalt  }
0x51: {  	_ =	shalt  }
0x52: {  	_ =	shalt  }
0x53: {  	_ =	shalt  }
0x54: {  	_ =	shalt  }
0x55: {  	_ =	shalt  }
0x56: {  	_ =	shalt  }
0x57: {  	_ =	shalt  }
0x58: {  	_ =	shalt  }
0x59: {  	_ =	shalt  }
0x5a: {  	_ =	shalt  }
0x5b: {  	_ =	shalt  }
0x5c: {  	_ =	shalt  }
0x5d: {  	_ =	shalt  }
0x5e: {  	_ =	shalt  }
0x5f: {  	_ =	shalt  }
0x60: {  	_ =	shalt  }
0x61: {  	_ =	shalt  }
0x62: {  	_ =	shalt  }
0x63: {  	_ =	shalt  }
0x64: {  	_ =	shalt  }
0x65: {  	_ =	shalt  }
0x66: {  	_ =	shalt  }
0x67: {  	_ =	shalt  }
0x68: {  	_ =	shalt  }
0x69: {  	_ =	shalt  }
0x6a: {  	_ =	shalt  }
0x6b: {  	_ =	shalt  }
0x6c: {  	_ =	shalt  }
0x6d: {  	_ =	shalt  }
0x6e: {  	_ =	shalt  }
0x6f: {  	_ =	shalt  }
0x70: {  	_ =	shalt  }
0x71: {  	_ =	shalt  }
0x72: {  	_ =	shalt  }
0x73: {  	_ =	shalt  }
0x74: {  	_ =	shalt  }
0x75: {  	_ =	shalt  }
0x76: {  	_ =	shalt  }
0x77: {  	_ =	shalt  }
0x78: {  	_ =	shalt  }
0x79: {  	_ =	shalt  }
0x7a: {  	_ =	shalt  }
0x7b: {  	_ =	shalt  }
0x7c: {  	_ =	shalt  }
0x7d: {  	_ =	shalt  }
0x7e: {  	_ =	shalt  }
0x7f: {  	_ =	shalt  }
0x80: {  	_ =	shalt  }
0x81: {  	_ =	shalt  }
0x82: {  	_ =	shalt  }
0x83: {  	_ =	shalt  }
0x84: {  	_ =	shalt  }
0x85: {  	_ =	shalt  }
0x86: {  	_ =	shalt  }
0x87: {  	_ =	shalt  }
.Lfunc_end0:
.L_simem_size_0:
called_computation_lowered:
.L_overlay_start_0:
0x88: {  	s2 =	sld [smem:$0x3FD9]  }
0x89: {  	s3 =	sld [smem:$0x3FFE];
	_ =	sdelay $0x1  }
0x8a: {  	s1 =	srdreg.scid  }
0x8b: {  	s0 =	sand.u32 $0x1, s1  }
0x8c: {  	s17 =	sshll.u32 s0, $0xA;
	s2 =	sadd.s32 s3, s2  }
0x8d: {  	s2 =	sadd.s32 s2, s17  }
0x8e: {  	[smem:$0x3FC4] =	sst s2  }
0x8f: {  	_ = 	snop  }
0x90: {  	s2 =	sld [smem:$0x3FC7];
	(tm) =	ssettm $0x1  }
0x91: {  	s18 =	sld [smem:$0x3FFB];
	_ =	sdelay $0x3  }
0x92: {  	_ =	strace s18  }
0x93: {  	s3 =	sld [smem:$0x3FFC];
	_ =	sdelay $0x3  }
0x94: {  	_ =	strace s3  }
0x95: {  	s3 =	sld [smem:$0x3FFD];
	_ =	sdelay $0x3  }
0x96: {  	_ =	strace s3  }
0x97: {  	_ =	strace $0x8FFFFFFF  }
0x98: {  	s19 =	sld [smem:$0x3FDB];
	_ =	sdelay $0x1  }
0x99: {  	s4 =	simm.s32 $_scs_section_size  }
0x9a: {  	s5 =	simm.s32 $_size__tile_overlayer_lowered;
	s6 =	simm.s32 $_tile_overlayer_lowered  }
0x9b: {  	s22 =	simm.s32 $0x1BFF;
	s21 =	sshll.u32 s6, $0x1;
	s3 =	sadd.s32 s4, s19  }
0x9c: {  	s7 =	simm.s32 $0x0;
	s20 =	sshll.u32 s5, $0x1;
	s5 =	sadd.s32 s21, s3  }
0x9d: {  	[timem:s7], [sflag:s22] =	dma.local [hbm:s5], s20  }
0x9e: {  	_ =	swait.ge [sflag:s22], s20  }
0x9f: {  	s4 =	ssub.s32 $0x0, s20;
	[sflag:s22] =	ssyncset.done $0x0  }
0xa0: {  	[sflag:s22] =	ssyncadd.s32 s4;
	_ =	sdelay $0x1  }
0xa1: {  	s23 =	simm.s32 $0x1B8B  }
0xa2: {  	_ =	swait.ge [sflag:s23], $0x1  }
0xa3: {  	[sflag:s23] =	ssyncset.done $0x0  }
0xa4: {  	s25 =	simm.s32 $0x1B8E;
	s24 =	sld [smem:$0x3FFE];
	[sflag:s23] =	ssyncadd.s32 $0xFFFFFFFF  }
0xa5: {  	s26 =	simm.s32 $execute0_lowered;
	[smem:$0x3FD2] =	sst s25  }
0xa6: {  	s5 =	sshll.u32 s26, $0x1;
	_ =	strace $0x80000046;
	[dreg:$0x1] =	wrdreg $0xFFFFFFFF  }
0xa7: {  	s28 =	simm.s32 $_size_execute0_lowered;
	s3 =	sadd.s32 s3, s5;
	[dreg:$0x0] =	wrdreg $0x0  }
0xa8: {  	s5 =	sshll.u32 s28, $0x1;
	[dreg:$0x2] =	wrdreg s3  }
0xa9: {  	[dreg:$0x3] =	wrdreg s5  }
0xaa: {  	[dreg:$0x4] =	wrdreg $0xC0  }
0xab: {  	_ =	task [dreg:s7], $0x5FFFF  }
0xac: {  	[dreg:$0x1] =	wrdreg $0xFFFFFFFF  }
0xad: {  	[dreg:$0x0] =	wrdreg $0x60  }
0xae: {  	[dreg:$0x2] =	wrdreg s24  }
0xaf: {  	[dreg:$0x3] =	wrdreg s2  }
0xb0: {  	[dreg:$0x4] =	wrdreg $0x9  }
0xb1: {  	_ =	task.clear_ibuf [dreg:s7], $0x5FFFF;
	_ =	strace $0x90000046  }
0xb2: {  	s29 =	simm.s32 $0x9;
	_ =	strace $0x80000048  }
0xb3: {  	_ =	swait.ge [sflag:s29], $0x1  }
0xb4: {  	[sflag:s29] =	ssyncadd.s32 $0xFFFFFFFF  }
0xb5: {  	_ =	strace $0x90000048  }
0xb6: {  	_ =	sfence  }
0xb7: {  	s30 =	sld [smem:$0x0];
	_ =	sdelay $0x2  }
0xb8: {  	s31 =	sshll.u32 s1, $0xD;
	s1 =	sshrl.u32 s1, $0x2  }
0xb9: {  	s3 =	sand.u32 $0x4000, s31;
	s1 =	sadd.s32 s1, s30  }
0xba: {  	s0 =	sor.u32 s3, s0;
	s1 =	sshll.u32 s1, $0x11  }
0xbb: {  	s0 =	sor.u32 s1, s0  }
0xbc: {  	s0 =	sadd.s32 $0x8F2B, s0  }
0xbd: {  	[sflag:s0] =	ssyncadd.remote.s32 $0x1  }
0xbe: {  	_ =	sfence.sel $0xFFFF  }
0xbf: {  	[dreg:$0x0] =	wrdreg $0xFFFFFFFF;
	(pc) =	sbr.abs _section_cstart, $3  }
0xc0: {  	[dreg:$0x1] =	wrdreg $0xFFFFFFFF  }
0xc1: {  	_ =	task.clear_ibuf [dreg:s7], $0x2FFFF;
	_ =	strace $0x9FFFFFFF  }
0xc2: {  	(tm) =	ssettm $0x7FFFFFFF  }
0xc3: {  	_ =	shalt  }
tec
execute0_lowered:
.L_overlay_start_1:
0x0: {  	(tag) =	ssettag $0x1  }
0x1: {  	s1 =	srdreg.scid  }
0x2: {  	s9 =	rddreg [dreg:$0x0];
	s0 =	stileid.u32;
	s5 =	sand.u32 $0x1, s1  }
0x3: {  	s3 =	rddreg [dreg:$0x1];
	s4 =	sshll.u32 s0, $0x7;
	s6 =	sshll.u32 s5, $0x6  }
0x4: {  	s2 =	simm.s32 $0x0;
	s1 =	rddreg [dreg:$0x2];
	s10 =	sor.u32 s6, s4  }
0x5: {  	[smem:$0x7FF] =	sst s2;
	s4 =	sshrl.u32 s10, $0x3  }
0x6: {  	_ =	strace $0x80000047;
	s4 =	sadd.s32 s3, s4;
	s3 =	simm.s32 $0x2  }
0x7: {  	[tilespmem:s2], [sflag:$0x2] =	stream.linear.gather [hbm4b:s4+s2], $0x40, $0x38;
	[tilespmem:$0x2080] =	vst v63  }
0x8: {  	_ =	swait.ge [sflag:s3], $0x40  }
0x9: {  	[sflag:s3] =	ssyncset.done $0x0  }
0xa: {  	p1 =	seq.s32 s5, $0x1;
	p0 =	seq.s32 s10, $0x0;
	[sflag:s3] =	ssyncadd.s32 $0xFFFFFFC0  }
0xb: {  	p0 =	por !p0, !p1;
	v1 =	vld [tilespmem:$0x30]  }
0xc: {  	s6 =	simm.s32 $0x1;
	p0 =	por !p0, !p0;
	v2 =	vld [tilespmem:$0x20]  }
0xd: {  	s6 =	simm.s32 @!p0 $0x0;
	v3 =	vld [tilespmem:$0x0]  }
0xe: {  	s6 =	ssub.s32 s0, s6;
	v4 =	vld [tilespmem:$0x10]  }
0xf: {  	s6 =	sshll.u32 s6, $0xD  }
0x10: {  	s31 =	ssub.s32 $0x2, s5;
	v0 =	vmov s6;
	v1 =	vshra.s32 v1, $0x1  }
0x11: {  	s7 =	sshrl.u32 s31, $0x1;
	v2 =	vshra.s32 v2, $0x1;
	v1 =	vadd.s32 v0, v1  }
0x12: {  	s11 =	ssub.s32 s31, s7;
	v3 =	vshra.s32 v3, $0x1;
	v2 =	vadd.s32 v0, v2;
	[tilespmem:$0x30] =	vst v1  }
0x13: {  	s11 =	smax.u32 s11, $0x1;
	v1 =	vadd.s32 v0, v3;
	v3 =	vshra.s32 v4, $0x1;
	[tilespmem:$0x20] =	vst v2  }
0x14: {  	s8 =	simm.s32 $0x40;
	s5 =	sadd.s32 $0x400C00, s9;
	p0 =	sne.s32 s11, $0x1;
	[tilespmem:$0x0] =	vst v1;
	v1 =	vadd.s32 v0, v3  }
.Ltmp0:
0x15: {  	s7 =	simm.s32 $0x80;
	s6 =	simm.s32 $0x1;
	[tilespmem:$0x10] =	vst v1;
	(pc) =	sbr.rel @!p0 .LBB2_2-.Ltmp0, $4  }
0x16: {  	[tilespmem:s7], [sflag:$0x1] =	stream.indirect.gather [hbm4b:s5+s8], $0x80, s2, s8, $0xb8;
	[tilespmem:$0x2080] =	vst v63  }
0x17: {  	s10 =	sshll.u32 s10, $0x4;
	_ =	swait.ge [sflag:s6], $0x2000  }
0x18: {  	s9 =	sadd.s32 s10, s9;
	[sflag:s6] =	ssyncset.done $0x0  }
0x19: {  	s9 =	sadd.s32 $0xC00, s9;
	s10 =	sadd.s32 $0xFFFFFFFF, s11;
	[sflag:s6] =	ssyncadd.s32 $0xFFFFE000  }
.LBB2_1:
0x1a: {  	[hbm4b:s9+s2] =	stream.linear.scatter [tilespmem:s7], [sflag:$0x2], $0x2000, $0x38;
	[tilespmem:$0x2080] =	vst v63  }
0x1b: {  	p0 =	sne.s32 s10, $0x1;
	s10 =	sadd.s32 $0xFFFFFFFF, s10;
	_ =	swait.ge [sflag:s3], $0x2000  }
0x1c: {  	[sflag:s3] =	ssyncset.done $0x0  }
0x1d: {  	[sflag:s3] =	ssyncadd.s32 $0xFFFFE000  }
0x1e: {  	[tilespmem:s2], [sflag:$0x2] =	stream.linear.gather [hbm4b:s4+s2], $0x40, $0x38;
	[tilespmem:$0x2080] =	vst v63  }
0x1f: {  	_ =	swait.ge [sflag:s3], $0x40  }
0x20: {  	[sflag:s3] =	ssyncset.done $0x0  }
0x21: {  	[sflag:s3] =	ssyncadd.s32 $0xFFFFFFC0  }
0x22: {  	v1 =	vld [tilespmem:$0x30]  }
0x23: {  	v2 =	vld [tilespmem:$0x20]  }
0x24: {  	v3 =	vld [tilespmem:$0x0]  }
0x25: {  	v4 =	vld [tilespmem:$0x10];
	_ =	sdelay $0x1  }
0x26: {  	v1 =	vshra.s32 v1, $0x1  }
0x27: {  	v2 =	vshra.s32 v2, $0x1;
	v1 =	vadd.s32 v0, v1  }
0x28: {  	v3 =	vshra.s32 v3, $0x1;
	v2 =	vadd.s32 v0, v2;
	[tilespmem:$0x30] =	vst v1  }
0x29: {  	v1 =	vadd.s32 v0, v3;
	v3 =	vshra.s32 v4, $0x1;
	[tilespmem:$0x20] =	vst v2  }
0x2a: {  	[tilespmem:$0x0] =	vst v1;
	v1 =	vadd.s32 v0, v3  }
.Ltmp1:
0x2b: {  	[tilespmem:$0x10] =	vst v1;
	(pc) =	sbr.rel @p0 .LBB2_1-.Ltmp1, $4  }
0x2c: {  	[tilespmem:s7], [sflag:$0x1] =	stream.indirect.gather [hbm4b:s5+s8], $0x80, s2, s8, $0xb8;
	[tilespmem:$0x2080] =	vst v63  }
0x2d: {  	_ =	swait.ge [sflag:s6], $0x2000  }
0x2e: {  	[sflag:s6] =	ssyncset.done $0x0  }
0x2f: {  	[sflag:s6] =	ssyncadd.s32 $0xFFFFE000  }
.LBB2_2:
0x30: {  	[hbm4b:s9+s2] =	stream.linear.scatter [tilespmem:s7], [sflag:$0x2], $0x2000, $0x38;
	[tilespmem:$0x2080] =	vst v63  }
0x31: {  	_ =	swait.ge [sflag:s3], $0x2000  }
0x32: {  	[sflag:s3] =	ssyncset.done $0x0  }
0x33: {  	[sflag:s3] =	ssyncadd.s32 $0xFFFFE000  }
0x34: {  	_ =	sfence.sel $0x180000  }
0x35: {  	[bflag:$0x0] =	sbarrier.arrive $0xFFFF  }
0x36: {  	p0 =	sne.s32 s0, $0x0;
	_ =	strace $0x90000047  }
0x37: {  	s0 =	sadd.s32 @!p0 $0x100000, s1;
	[bflag:$0x2] =	sbarrier.arrive $0xFFFF  }
0x38: {  	[sflag:s0] =	ssyncadd.tile.s32 @!p0 $0x1;
	_ =	shalt  }
.Lfunc_end2:
_tile_overlayer_lowered:
.L_overlay_start_2:
0x39: {  	(tag) =	ssettag $0x2  }
0x3a: {  	s0 =	rddreg [dreg:$0x0];
	s2 =	stileid.u32  }
0x3b: {  	s1 =	rddreg [dreg:$0x1];
	p0 =	sne.s32 s2, $0x0  }
0x3c: {  	s3 =	rddreg [dreg:$0x2];
	[bflag:$0x3] =	sbarrier.arrive $0xFFFF;
	s2 =	simm.s32 @!p0 $0x1C02  }
0x3d: {  	[timem:s3], [sflag:s2] =	dma.local @!p0 [hbm:s0], s1  }
0x3e: {  	s0 =	simm.s32 @!p0 $0x2  }
0x3f: {  	_ =	swait.ge @!p0 [sflag:s0], s1  }
0x40: {  	s1 =	ssub.s32 @!p0 $0x0, s1;
	[sflag:s0] =	ssyncset.done @!p0 $0x0  }
0x41: {  	[sflag:s0] =	ssyncadd.s32 @!p0 s1  }
0x42: {  	[bflag:$0x3] =	sbarrier.arrive $0xFFFF  }
0x43: {  	_ =	shalt  }

</sc_bundles>
